<compile_context>
chip_gen: v7x
topology: tpu7x:2x2x1
jax: 0.10.2.dev20260603
libtpu: 0.0.44.dev20260713+nightly
codegen_flags: <defaults>
</compile_context>

<pallas_src>
import functools

import jax
import jax.numpy as jnp
from jax import lax
from jax.experimental import pallas as pl
from jax.experimental.pallas import tpu as pltpu
from jax.experimental.pallas import tpu_sc as plsc

NUM_CLASSES_ = 100000
NUM_VIEWS_ = 8
BATCH_ = 16384
NPLANE = NUM_VIEWS_ * 3
QUARTER = BATCH_ // 4

_info = plsc.get_sparse_core_info()
NC, NS = _info.num_cores, _info.num_subcores


@functools.partial(
    pl.kernel,
    mesh=plsc.VectorSubcoreMesh(core_axis_name="c", subcore_axis_name="s"),
    out_type=jax.ShapeDtypeStruct((3, NUM_VIEWS_, BATCH_), jnp.float32),
    scratch_types=[
        pltpu.VMEM((NUM_CLASSES_,), jnp.float32),
        pltpu.VMEM((QUARTER,), jnp.int32),
        pltpu.VMEM((QUARTER,), jnp.int32),
        pltpu.VMEM((QUARTER,), jnp.float32),
        pltpu.VMEM((QUARTER,), jnp.float32),
        pltpu.VMEM_SHARED((BATCH_,), jnp.int32),
        pltpu.SemaphoreType.DMA,
        pltpu.SemaphoreType.DMA,
        pltpu.SemaphoreType.DMA,
        pltpu.SemaphoreType.DMA,
        pltpu.SemaphoreType.DMA,
    ],
    compiler_params=pltpu.CompilerParams(
        use_tc_tiling_on_sc=True, needs_layout_passes=False
    ),
)
def _gather_planes(
    idx_hbm, table_hbm, out_hbm,
    plane_v, idx0_v, idx1_v, out0_v, out1_v, sidx,
    sem_p, sem_i0, sem_i1, sem_o0, sem_o1,
):
    cid = lax.axis_index("c")
    sid = lax.axis_index("s")
    wid = sid * NC + cid
    c = wid // NUM_VIEWS_
    v = wid % NUM_VIEWS_

    @pl.when(wid < NPLANE)
    def _():
        pltpu.async_copy(table_hbm.at[c, v], plane_v, sem_p)

    @pl.when(sid == 0)
    def _():
        pltpu.sync_copy(idx_hbm, sidx)

    plsc.subcore_barrier()

    @pl.when(wid < NPLANE)
    def _():
        idx_bufs = (idx0_v, idx1_v)
        idx_sems = (sem_i0, sem_i1)
        out_bufs = (out0_v, out1_v)
        out_sems = (sem_o0, sem_o1)
        idx_cps = [None, None]
        out_cps = [None, None]
        for q in range(2):
            idx_cps[q] = pltpu.async_copy(
                sidx.at[pl.ds(q * QUARTER, QUARTER)], idx_bufs[q], idx_sems[q]
            )
        pltpu.make_async_copy(table_hbm.at[c, v], plane_v, sem_p).wait()
        for q in range(4):
            b = q % 2
            ib = idx_bufs[b]
            ob = out_bufs[b]
            idx_cps[b].wait()

            def body(k, carry):
                ii = ib[pl.ds(k * 16, 16)]
                ob[pl.ds(k * 16, 16)] = plsc.load_gather(plane_v, [ii])
                return carry

            if out_cps[b] is not None:
                out_cps[b].wait()
            lax.fori_loop(0, QUARTER // 16, body, 0, unroll=1)
            out_cps[b] = pltpu.async_copy(
                ob, out_hbm.at[c, v, pl.ds(q * QUARTER, QUARTER)], out_sems[b]
            )
            if q + 2 < 4:
                idx_cps[b] = pltpu.async_copy(
                    sidx.at[pl.ds((q + 2) * QUARTER, QUARTER)],
                    idx_bufs[b],
                    idx_sems[b],
                )
        out_cps[0].wait()
        out_cps[1].wait()


def kernel(class_indices, camera_pos):
    idx = class_indices.astype(jnp.int32)
    tab = camera_pos.transpose(2, 1, 0)
    out = _gather_planes(idx, tab)
    return out.transpose(2, 1, 0)

# --- scband reference (transcript-rebuilt; emitter-appended) ---
"""Pipeline reference for scband-viewpoint-learner-90795608637932 (READ-ONLY COPY).

The authoritative reference and input builder live on the scoring server;
editing this copy changes nothing except your own understanding.
"""

import jax, jax.numpy as jnp
import numpy as np

NUM_CLASSES = 100000
NUM_VIEWS = 8
INIT_SCALE = 2.5
BATCH = 16384


def setup_inputs(seed: int = 0) -> dict:
    key = jax.random.key(seed)
    k1, k2 = jax.random.split(key)
    directions = jax.random.normal(k1, (NUM_CLASSES, NUM_VIEWS, 3), dtype=jnp.float32)
    norms = jnp.linalg.norm(directions, axis=-1, keepdims=True)
    directions = directions / jnp.maximum(norms, 1e-12)
    camera_pos = directions * INIT_SCALE
    class_indices = jax.random.randint(k2, (BATCH,), 0, NUM_CLASSES, dtype=jnp.int64)
    return {"class_indices": class_indices, "camera_pos": camera_pos}


def reference(class_indices, camera_pos):
    # Faithful translation of ViewpointLearner.forward: row gather from learned table.
    # camera_pos: (num_classes, num_views, 3); class_indices: (B,)
    return jnp.take(camera_pos, class_indices, axis=0)

if __name__ == "__main__":
    import jax
    _d = setup_inputs()
    print(jax.jit(kernel)(*tuple(_d.values())))

</pallas_src>

<mosaic_0001>
#map = affine_map<(d0, d1) -> (0)>
#map1 = affine_map<(d0, d1) -> (0, 0, 0)>
module attributes {stable_mosaic.version = 14 : i64} {
  func.func @_gather_planes(%arg0: i32, %arg1: i32, %arg2: memref<16384xi32, #tpu.memory_space<hbm>>, %arg3: memref<3x8x100000xf32, #tpu.memory_space<hbm>>, %arg4: memref<3x8x16384xf32, #tpu.memory_space<hbm>>, %arg5: memref<100000xf32, #tpu.memory_space<vmem>>, %arg6: memref<4096xi32, #tpu.memory_space<vmem>>, %arg7: memref<4096xi32, #tpu.memory_space<vmem>>, %arg8: memref<4096xf32, #tpu.memory_space<vmem>>, %arg9: memref<4096xf32, #tpu.memory_space<vmem>>, %arg10: memref<16384xi32, #tpu.memory_space<vmem_shared>>, %arg11: memref<!tpu.dma_semaphore, #tpu.memory_space<semaphore_mem>>, %arg12: memref<!tpu.dma_semaphore, #tpu.memory_space<semaphore_mem>>, %arg13: memref<!tpu.dma_semaphore, #tpu.memory_space<semaphore_mem>>, %arg14: memref<!tpu.dma_semaphore, #tpu.memory_space<semaphore_mem>>, %arg15: memref<!tpu.dma_semaphore, #tpu.memory_space<semaphore_mem>>) attributes {dimension_semantics = [#tpu.dimension_semantics<core_parallel>, #tpu.dimension_semantics<subcore_parallel>], iteration_bounds = array<i64: 2, 16>, scalar_prefetch = 0 : i64, scratch_operands = 11 : i64, tpu.core_type = #tpu.core_type<sc_vector_subcore>, window_params = [{transform_indices = #map}, {transform_indices = #map1}, {transform_indices = #map1}]} {
    %mul3A = arith.constant 2 : i32
    %mul3A_0 = arith.muli %arg1, %mul3A : i32
    %add3A = arith.addi %mul3A_0, %arg0 : i32
    %jit3A = arith.constant 8 : i32
    %div3A = arith.divsi %add3A, %jit3A : i32
    %sign3A = arith.constant 0 : i32
    %sign3A_1 = arith.cmpi sgt, %add3A, %sign3A : i32
    %sign3A_2 = arith.extui %sign3A_1 : i1 to i32
    %sign3A_3 = arith.constant 0 : i32
    %sign3A_4 = arith.cmpi slt, %add3A, %sign3A_3 : i32
    %sign3A_5 = arith.extui %sign3A_4 : i1 to i32
    %sign3A_6 = arith.subi %sign3A_2, %sign3A_5 : i32
    %sign3A_7 = arith.constant 0 : i32
    %sign3A_8 = arith.cmpi sgt, %jit3A, %sign3A_7 : i32
    %sign3A_9 = arith.extui %sign3A_8 : i1 to i32
    %sign3A_10 = arith.constant 0 : i32
    %sign3A_11 = arith.cmpi slt, %jit3A, %sign3A_10 : i32
    %sign3A_12 = arith.extui %sign3A_11 : i1 to i32
    %sign3A_13 = arith.subi %sign3A_9, %sign3A_12 : i32
    %ne3A = arith.cmpi ne, %sign3A_6, %sign3A_13 : i32
    %rem3A = arith.remsi %add3A, %jit3A : i32
    %ne3A_14 = arith.constant 0 : i32
    %ne3A_15 = arith.cmpi ne, %rem3A, %ne3A_14 : i32
    %and3A = arith.andi %ne3A, %ne3A_15 : i1
    %sub3A = arith.constant 1 : i32
    %sub3A_16 = arith.subi %div3A, %sub3A : i32
    %select_n3A = arith.select %and3A, %sub3A_16, %div3A : i32
    %jit3A_17 = arith.constant 8 : i32
    %eq3A = arith.constant 0 : i32
    %eq3A_18 = arith.cmpi eq, %jit3A_17, %eq3A : i32
    %jit3A_19 = arith.constant 1 : i32
    %select_n3A_20 = arith.select %eq3A_18, %jit3A_19, %jit3A_17 : i32
    %rem3A_21 = arith.remsi %add3A, %select_n3A_20 : i32
    %ne3A_22 = arith.constant 0 : i32
    %ne3A_23 = arith.cmpi ne, %rem3A_21, %ne3A_22 : i32
    %lt3A = arith.constant 0 : i32
    %lt3A_24 = arith.cmpi slt, %rem3A_21, %lt3A : i32
    %lt3A_25 = arith.constant 0 : i32
    %lt3A_26 = arith.cmpi slt, %select_n3A_20, %lt3A_25 : i32
    %ne3A_27 = arith.xori %lt3A_24, %lt3A_26 : i1
    %and3A_28 = arith.andi %ne3A_27, %ne3A_23 : i1
    %add3A_29 = arith.addi %rem3A_21, %select_n3A_20 : i32
    %select_n3A_30 = arith.select %and3A_28, %add3A_29, %rem3A_21 : i32
    %lt3A_31 = arith.constant 24 : i32
    %lt3A_32 = arith.cmpi slt, %add3A, %lt3A_31 : i32
    %convert_element_type3A = arith.extui %lt3A_32 : i1 to i32
    %cond3A = arith.constant 0 : i32
    %cond3A_33 = arith.cmpi ne, %convert_element_type3A, %cond3A : i32
    scf.if %cond3A_33 {
      %dma_start3A = arith.constant 0 : i32
      %dma_start3A_44 = tpu.memref_slice %arg3[%select_n3A, %select_n3A_30, %dma_start3A] : memref<3x8x100000xf32, #tpu.memory_space<hbm>> -> memref<1x1x100000xf32, #tpu.memory_space<hbm>>
      %dma_start3A_45 = tpu.memref_squeeze %dma_start3A_44 : memref<1x1x100000xf32, #tpu.memory_space<hbm>> -> memref<100000xf32, #tpu.memory_space<hbm>>
      %dma_start3A_46 = arith.constant 0 : i32
      %dma_start3A_47 = tpu.memref_slice %arg3[%select_n3A, %select_n3A_30, %dma_start3A_46] : memref<3x8x100000xf32, #tpu.memory_space<hbm>> -> memref<1x1x100000xf32, #tpu.memory_space<hbm>>
      %dma_start3A_48 = tpu.memref_squeeze %dma_start3A_47 : memref<1x1x100000xf32, #tpu.memory_space<hbm>> -> memref<100000xf32, #tpu.memory_space<hbm>>
      tpu.enqueue_dma source(%dma_start3A_48 : memref<100000xf32, #tpu.memory_space<hbm>>) target(%arg5 : memref<100000xf32, #tpu.memory_space<vmem>>) target_semaphore(%arg11 : memref<!tpu.dma_semaphore, #tpu.memory_space<semaphore_mem>>)
    } else {
    }
    %eq3A_34 = arith.constant 0 : i32
    %eq3A_35 = arith.cmpi eq, %arg1, %eq3A_34 : i32
    %convert_element_type3A_36 = arith.extui %eq3A_35 : i1 to i32
    %cond3A_37 = arith.constant 0 : i32
    %cond3A_38 = arith.cmpi ne, %convert_element_type3A_36, %cond3A_37 : i32
    scf.if %cond3A_38 {
      "tpu.region"() ({
        %run_scoped3A = tpu.sem_alloc : memref<!tpu.dma_semaphore, #tpu.memory_space<semaphore_mem>>
        tpu.enqueue_dma source(%arg2 : memref<16384xi32, #tpu.memory_space<hbm>>) target(%arg10 : memref<16384xi32, #tpu.memory_space<vmem_shared>>) target_semaphore(%run_scoped3A : memref<!tpu.dma_semaphore, #tpu.memory_space<semaphore_mem>>)
        tpu.wait_dma2 semaphore(%run_scoped3A : memref<!tpu.dma_semaphore, #tpu.memory_space<semaphore_mem>>) src(%arg2 : memref<16384xi32, #tpu.memory_space<hbm>>) dst(%arg10 : memref<16384xi32, #tpu.memory_space<vmem_shared>>)
        tpu.yield
      }) : () -> ()
    } else {
    }
    %barrier3A = arith.constant 0 : index
    tpu.barrier barrier_id(%barrier3A)
    %lt3A_39 = arith.constant 24 : i32
    %lt3A_40 = arith.cmpi slt, %add3A, %lt3A_39 : i32
    %convert_element_type3A_41 = arith.extui %lt3A_40 : i1 to i32
    %cond3A_42 = arith.constant 0 : i32
    %cond3A_43 = arith.cmpi ne, %convert_element_type3A_41, %cond3A_42 : i32
    scf.if %cond3A_43 {
      %dma_start3A = arith.constant 0 : i32
      %dma_start3A_44 = tpu.memref_slice %arg10[%dma_start3A] : memref<16384xi32, #tpu.memory_space<vmem_shared>> -> memref<4096xi32, #tpu.memory_space<vmem_shared>>
      %dma_start3A_45 = arith.constant 0 : i32
      %dma_start3A_46 = tpu.memref_slice %arg10[%dma_start3A_45] : memref<16384xi32, #tpu.memory_space<vmem_shared>> -> memref<4096xi32, #tpu.memory_space<vmem_shared>>
      tpu.enqueue_dma source(%dma_start3A_46 : memref<4096xi32, #tpu.memory_space<vmem_shared>>) target(%arg6 : memref<4096xi32, #tpu.memory_space<vmem>>) target_semaphore(%arg12 : memref<!tpu.dma_semaphore, #tpu.memory_space<semaphore_mem>>)
      %dma_start3A_47 = arith.constant 4096 : i32
      %dma_start3A_48 = tpu.memref_slice %arg10[%dma_start3A_47] : memref<16384xi32, #tpu.memory_space<vmem_shared>> -> memref<4096xi32, #tpu.memory_space<vmem_shared>>
      %dma_start3A_49 = arith.constant 4096 : i32
      %dma_start3A_50 = tpu.memref_slice %arg10[%dma_start3A_49] : memref<16384xi32, #tpu.memory_space<vmem_shared>> -> memref<4096xi32, #tpu.memory_space<vmem_shared>>
      tpu.enqueue_dma source(%dma_start3A_50 : memref<4096xi32, #tpu.memory_space<vmem_shared>>) target(%arg7 : memref<4096xi32, #tpu.memory_space<vmem>>) target_semaphore(%arg13 : memref<!tpu.dma_semaphore, #tpu.memory_space<semaphore_mem>>)
      %dma_wait3A = arith.constant 0 : i32
      %dma_wait3A_51 = tpu.memref_slice %arg3[%select_n3A, %select_n3A_30, %dma_wait3A] : memref<3x8x100000xf32, #tpu.memory_space<hbm>> -> memref<1x1x100000xf32, #tpu.memory_space<hbm>>
      %dma_wait3A_52 = tpu.memref_squeeze %dma_wait3A_51 : memref<1x1x100000xf32, #tpu.memory_space<hbm>> -> memref<100000xf32, #tpu.memory_space<hbm>>
      %dma_wait3A_53 = arith.constant 0 : i32
      %dma_wait3A_54 = tpu.memref_slice %arg3[%select_n3A, %select_n3A_30, %dma_wait3A_53] : memref<3x8x100000xf32, #tpu.memory_space<hbm>> -> memref<1x1x100000xf32, #tpu.memory_space<hbm>>
      %dma_wait3A_55 = tpu.memref_squeeze %dma_wait3A_54 : memref<1x1x100000xf32, #tpu.memory_space<hbm>> -> memref<100000xf32, #tpu.memory_space<hbm>>
      tpu.wait_dma2 semaphore(%arg11 : memref<!tpu.dma_semaphore, #tpu.memory_space<semaphore_mem>>) src(%dma_wait3A_55 : memref<100000xf32, #tpu.memory_space<hbm>>) dst(%arg5 : memref<100000xf32, #tpu.memory_space<vmem>>)
      %dma_wait3A_56 = arith.constant 0 : i32
      %dma_wait3A_57 = tpu.memref_slice %arg10[%dma_wait3A_56] : memref<16384xi32, #tpu.memory_space<vmem_shared>> -> memref<4096xi32, #tpu.memory_space<vmem_shared>>
      %dma_wait3A_58 = arith.constant 0 : i32
      %dma_wait3A_59 = tpu.memref_slice %arg10[%dma_wait3A_58] : memref<16384xi32, #tpu.memory_space<vmem_shared>> -> memref<4096xi32, #tpu.memory_space<vmem_shared>>
      tpu.wait_dma2 semaphore(%arg12 : memref<!tpu.dma_semaphore, #tpu.memory_space<semaphore_mem>>) src(%dma_wait3A_59 : memref<4096xi32, #tpu.memory_space<vmem_shared>>) dst(%arg6 : memref<4096xi32, #tpu.memory_space<vmem>>)
      %scan3A = arith.constant 0 : i32
      %scan3A_60 = arith.constant 0 : i32
      %scan3A_61 = arith.constant 256 : i32
      %scan3A_62 = arith.addi %scan3A_60, %scan3A_61 : i32
      %scan3A_63 = arith.constant 1 : i32
      scf.for %scan3A_151 = %scan3A_60 to %scan3A_62 step %scan3A_63  : i32 {
        %mul3A_152 = arith.constant 16 : i32
        %mul3A_153 = arith.muli %scan3A_151, %mul3A_152 : i32
        %get3A = arith.index_cast %mul3A_153 : i32 to index
        %get3A_154 = tpu.vector_load %arg6[%get3A] {strides = array<i32>} : memref<4096xi32, #tpu.memory_space<vmem>>, vector<16xi32>,
        %gather3A = tpu.vector_load_idx %arg5[%get3A_154] : memref<100000xf32, #tpu.memory_space<vmem>>[vector<16xi32>], vector<16xf32>,
        %mul3A_155 = arith.constant 16 : i32
        %mul3A_156 = arith.muli %scan3A_151, %mul3A_155 : i32
        %swap3A = arith.index_cast %mul3A_156 : i32 to index
        %swap3A_157 = tpu.vector_load %arg8[%swap3A] {strides = array<i32>} : memref<4096xf32, #tpu.memory_space<vmem>>, vector<16xf32>,
        tpu.vector_store %arg8[%swap3A], %gather3A {strides = array<i32>} : memref<4096xf32, #tpu.memory_space<vmem>>, vector<16xf32>,
      }
      %scan3A_64 = arith.constant 256 : i32
      %dma_start3A_65 = arith.constant 0 : i32
      %dma_start3A_66 = tpu.memref_slice %arg4[%select_n3A, %select_n3A_30, %dma_start3A_65] : memref<3x8x16384xf32, #tpu.memory_space<hbm>> -> memref<1x1x4096xf32, #tpu.memory_space<hbm>>
      %dma_start3A_67 = tpu.memref_squeeze %dma_start3A_66 : memref<1x1x4096xf32, #tpu.memory_space<hbm>> -> memref<4096xf32, #tpu.memory_space<hbm>>
      %dma_start3A_68 = arith.constant 0 : i32
      %dma_start3A_69 = tpu.memref_slice %arg4[%select_n3A, %select_n3A_30, %dma_start3A_68] : memref<3x8x16384xf32, #tpu.memory_space<hbm>> -> memref<1x1x4096xf32, #tpu.memory_space<hbm>>
      %dma_start3A_70 = tpu.memref_squeeze %dma_start3A_69 : memref<1x1x4096xf32, #tpu.memory_space<hbm>> -> memref<4096xf32, #tpu.memory_space<hbm>>
      tpu.enqueue_dma source(%arg8 : memref<4096xf32, #tpu.memory_space<vmem>>) target(%dma_start3A_70 : memref<4096xf32, #tpu.memory_space<hbm>>) target_semaphore(%arg14 : memref<!tpu.dma_semaphore, #tpu.memory_space<semaphore_mem>>)
      %dma_start3A_71 = arith.constant 8192 : i32
      %dma_start3A_72 = tpu.memref_slice %arg10[%dma_start3A_71] : memref<16384xi32, #tpu.memory_space<vmem_shared>> -> memref<4096xi32, #tpu.memory_space<vmem_shared>>
      %dma_start3A_73 = arith.constant 8192 : i32
      %dma_start3A_74 = tpu.memref_slice %arg10[%dma_start3A_73] : memref<16384xi32, #tpu.memory_space<vmem_shared>> -> memref<4096xi32, #tpu.memory_space<vmem_shared>>
      tpu.enqueue_dma source(%dma_start3A_74 : memref<4096xi32, #tpu.memory_space<vmem_shared>>) target(%arg6 : memref<4096xi32, #tpu.memory_space<vmem>>) target_semaphore(%arg12 : memref<!tpu.dma_semaphore, #tpu.memory_space<semaphore_mem>>)
      %dma_wait3A_75 = arith.constant 4096 : i32
      %dma_wait3A_76 = tpu.memref_slice %arg10[%dma_wait3A_75] : memref<16384xi32, #tpu.memory_space<vmem_shared>> -> memref<4096xi32, #tpu.memory_space<vmem_shared>>
      %dma_wait3A_77 = arith.constant 4096 : i32
      %dma_wait3A_78 = tpu.memref_slice %arg10[%dma_wait3A_77] : memref<16384xi32, #tpu.memory_space<vmem_shared>> -> memref<4096xi32, #tpu.memory_space<vmem_shared>>
      tpu.wait_dma2 semaphore(%arg13 : memref<!tpu.dma_semaphore, #tpu.memory_space<semaphore_mem>>) src(%dma_wait3A_78 : memref<4096xi32, #tpu.memory_space<vmem_shared>>) dst(%arg7 : memref<4096xi32, #tpu.memory_space<vmem>>)
      %scan3A_79 = arith.constant 0 : i32
      %scan3A_80 = arith.constant 0 : i32
      %scan3A_81 = arith.constant 256 : i32
      %scan3A_82 = arith.addi %scan3A_80, %scan3A_81 : i32
      %scan3A_83 = arith.constant 1 : i32
      scf.for %scan3A_151 = %scan3A_80 to %scan3A_82 step %scan3A_83  : i32 {
        %mul3A_152 = arith.constant 16 : i32
        %mul3A_153 = arith.muli %scan3A_151, %mul3A_152 : i32
        %get3A = arith.index_cast %mul3A_153 : i32 to index
        %get3A_154 = tpu.vector_load %arg7[%get3A] {strides = array<i32>} : memref<4096xi32, #tpu.memory_space<vmem>>, vector<16xi32>,
        %gather3A = tpu.vector_load_idx %arg5[%get3A_154] : memref<100000xf32, #tpu.memory_space<vmem>>[vector<16xi32>], vector<16xf32>,
        %mul3A_155 = arith.constant 16 : i32
        %mul3A_156 = arith.muli %scan3A_151, %mul3A_155 : i32
        %swap3A = arith.index_cast %mul3A_156 : i32 to index
        %swap3A_157 = tpu.vector_load %arg9[%swap3A] {strides = array<i32>} : memref<4096xf32, #tpu.memory_space<vmem>>, vector<16xf32>,
        tpu.vector_store %arg9[%swap3A], %gather3A {strides = array<i32>} : memref<4096xf32, #tpu.memory_space<vmem>>, vector<16xf32>,
      }
      %scan3A_84 = arith.constant 256 : i32
      %dma_start3A_85 = arith.constant 4096 : i32
      %dma_start3A_86 = tpu.memref_slice %arg4[%select_n3A, %select_n3A_30, %dma_start3A_85] : memref<3x8x16384xf32, #tpu.memory_space<hbm>> -> memref<1x1x4096xf32, #tpu.memory_space<hbm>>
      %dma_start3A_87 = tpu.memref_squeeze %dma_start3A_86 : memref<1x1x4096xf32, #tpu.memory_space<hbm>> -> memref<4096xf32, #tpu.memory_space<hbm>>
      %dma_start3A_88 = arith.constant 4096 : i32
      %dma_start3A_89 = tpu.memref_slice %arg4[%select_n3A, %select_n3A_30, %dma_start3A_88] : memref<3x8x16384xf32, #tpu.memory_space<hbm>> -> memref<1x1x4096xf32, #tpu.memory_space<hbm>>
      %dma_start3A_90 = tpu.memref_squeeze %dma_start3A_89 : memref<1x1x4096xf32, #tpu.memory_space<hbm>> -> memref<4096xf32, #tpu.memory_space<hbm>>
      tpu.enqueue_dma source(%arg9 : memref<4096xf32, #tpu.memory_space<vmem>>) target(%dma_start3A_90 : memref<4096xf32, #tpu.memory_space<hbm>>) target_semaphore(%arg15 : memref<!tpu.dma_semaphore, #tpu.memory_space<semaphore_mem>>)
      %dma_start3A_91 = arith.constant 12288 : i32
      %dma_start3A_92 = tpu.memref_slice %arg10[%dma_start3A_91] : memref<16384xi32, #tpu.memory_space<vmem_shared>> -> memref<4096xi32, #tpu.memory_space<vmem_shared>>
      %dma_start3A_93 = arith.constant 12288 : i32
      %dma_start3A_94 = tpu.memref_slice %arg10[%dma_start3A_93] : memref<16384xi32, #tpu.memory_space<vmem_shared>> -> memref<4096xi32, #tpu.memory_space<vmem_shared>>
      tpu.enqueue_dma source(%dma_start3A_94 : memref<4096xi32, #tpu.memory_space<vmem_shared>>) target(%arg7 : memref<4096xi32, #tpu.memory_space<vmem>>) target_semaphore(%arg13 : memref<!tpu.dma_semaphore, #tpu.memory_space<semaphore_mem>>)
      %dma_wait3A_95 = arith.constant 8192 : i32
      %dma_wait3A_96 = tpu.memref_slice %arg10[%dma_wait3A_95] : memref<16384xi32, #tpu.memory_space<vmem_shared>> -> memref<4096xi32, #tpu.memory_space<vmem_shared>>
      %dma_wait3A_97 = arith.constant 8192 : i32
      %dma_wait3A_98 = tpu.memref_slice %arg10[%dma_wait3A_97] : memref<16384xi32, #tpu.memory_space<vmem_shared>> -> memref<4096xi32, #tpu.memory_space<vmem_shared>>
      tpu.wait_dma2 semaphore(%arg12 : memref<!tpu.dma_semaphore, #tpu.memory_space<semaphore_mem>>) src(%dma_wait3A_98 : memref<4096xi32, #tpu.memory_space<vmem_shared>>) dst(%arg6 : memref<4096xi32, #tpu.memory_space<vmem>>)
      %dma_wait3A_99 = arith.constant 0 : i32
      %dma_wait3A_100 = tpu.memref_slice %arg4[%select_n3A, %select_n3A_30, %dma_wait3A_99] : memref<3x8x16384xf32, #tpu.memory_space<hbm>> -> memref<1x1x4096xf32, #tpu.memory_space<hbm>>
      %dma_wait3A_101 = tpu.memref_squeeze %dma_wait3A_100 : memref<1x1x4096xf32, #tpu.memory_space<hbm>> -> memref<4096xf32, #tpu.memory_space<hbm>>
      %dma_wait3A_102 = arith.constant 0 : i32
      %dma_wait3A_103 = tpu.memref_slice %arg4[%select_n3A, %select_n3A_30, %dma_wait3A_102] : memref<3x8x16384xf32, #tpu.memory_space<hbm>> -> memref<1x1x4096xf32, #tpu.memory_space<hbm>>
      %dma_wait3A_104 = tpu.memref_squeeze %dma_wait3A_103 : memref<1x1x4096xf32, #tpu.memory_space<hbm>> -> memref<4096xf32, #tpu.memory_space<hbm>>
      tpu.wait_dma2 semaphore(%arg14 : memref<!tpu.dma_semaphore, #tpu.memory_space<semaphore_mem>>) src(%arg8 : memref<4096xf32, #tpu.memory_space<vmem>>) dst(%dma_wait3A_104 : memref<4096xf32, #tpu.memory_space<hbm>>)
      %scan3A_105 = arith.constant 0 : i32
      %scan3A_106 = arith.constant 0 : i32
      %scan3A_107 = arith.constant 256 : i32
      %scan3A_108 = arith.addi %scan3A_106, %scan3A_107 : i32
      %scan3A_109 = arith.constant 1 : i32
      scf.for %scan3A_151 = %scan3A_106 to %scan3A_108 step %scan3A_109  : i32 {
        %mul3A_152 = arith.constant 16 : i32
        %mul3A_153 = arith.muli %scan3A_151, %mul3A_152 : i32
        %get3A = arith.index_cast %mul3A_153 : i32 to index
        %get3A_154 = tpu.vector_load %arg6[%get3A] {strides = array<i32>} : memref<4096xi32, #tpu.memory_space<vmem>>, vector<16xi32>,
        %gather3A = tpu.vector_load_idx %arg5[%get3A_154] : memref<100000xf32, #tpu.memory_space<vmem>>[vector<16xi32>], vector<16xf32>,
        %mul3A_155 = arith.constant 16 : i32
        %mul3A_156 = arith.muli %scan3A_151, %mul3A_155 : i32
        %swap3A = arith.index_cast %mul3A_156 : i32 to index
        %swap3A_157 = tpu.vector_load %arg8[%swap3A] {strides = array<i32>} : memref<4096xf32, #tpu.memory_space<vmem>>, vector<16xf32>,
        tpu.vector_store %arg8[%swap3A], %gather3A {strides = array<i32>} : memref<4096xf32, #tpu.memory_space<vmem>>, vector<16xf32>,
      }
      %scan3A_110 = arith.constant 256 : i32
      %dma_start3A_111 = arith.constant 8192 : i32
      %dma_start3A_112 = tpu.memref_slice %arg4[%select_n3A, %select_n3A_30, %dma_start3A_111] : memref<3x8x16384xf32, #tpu.memory_space<hbm>> -> memref<1x1x4096xf32, #tpu.memory_space<hbm>>
      %dma_start3A_113 = tpu.memref_squeeze %dma_start3A_112 : memref<1x1x4096xf32, #tpu.memory_space<hbm>> -> memref<4096xf32, #tpu.memory_space<hbm>>
      %dma_start3A_114 = arith.constant 8192 : i32
      %dma_start3A_115 = tpu.memref_slice %arg4[%select_n3A, %select_n3A_30, %dma_start3A_114] : memref<3x8x16384xf32, #tpu.memory_space<hbm>> -> memref<1x1x4096xf32, #tpu.memory_space<hbm>>
      %dma_start3A_116 = tpu.memref_squeeze %dma_start3A_115 : memref<1x1x4096xf32, #tpu.memory_space<hbm>> -> memref<4096xf32, #tpu.memory_space<hbm>>
      tpu.enqueue_dma source(%arg8 : memref<4096xf32, #tpu.memory_space<vmem>>) target(%dma_start3A_116 : memref<4096xf32, #tpu.memory_space<hbm>>) target_semaphore(%arg14 : memref<!tpu.dma_semaphore, #tpu.memory_space<semaphore_mem>>)
      %dma_wait3A_117 = arith.constant 12288 : i32
      %dma_wait3A_118 = tpu.memref_slice %arg10[%dma_wait3A_117] : memref<16384xi32, #tpu.memory_space<vmem_shared>> -> memref<4096xi32, #tpu.memory_space<vmem_shared>>
      %dma_wait3A_119 = arith.constant 12288 : i32
      %dma_wait3A_120 = tpu.memref_slice %arg10[%dma_wait3A_119] : memref<16384xi32, #tpu.memory_space<vmem_shared>> -> memref<4096xi32, #tpu.memory_space<vmem_shared>>
      tpu.wait_dma2 semaphore(%arg13 : memref<!tpu.dma_semaphore, #tpu.memory_space<semaphore_mem>>) src(%dma_wait3A_120 : memref<4096xi32, #tpu.memory_space<vmem_shared>>) dst(%arg7 : memref<4096xi32, #tpu.memory_space<vmem>>)
      %dma_wait3A_121 = arith.constant 4096 : i32
      %dma_wait3A_122 = tpu.memref_slice %arg4[%select_n3A, %select_n3A_30, %dma_wait3A_121] : memref<3x8x16384xf32, #tpu.memory_space<hbm>> -> memref<1x1x4096xf32, #tpu.memory_space<hbm>>
      %dma_wait3A_123 = tpu.memref_squeeze %dma_wait3A_122 : memref<1x1x4096xf32, #tpu.memory_space<hbm>> -> memref<4096xf32, #tpu.memory_space<hbm>>
      %dma_wait3A_124 = arith.constant 4096 : i32
      %dma_wait3A_125 = tpu.memref_slice %arg4[%select_n3A, %select_n3A_30, %dma_wait3A_124] : memref<3x8x16384xf32, #tpu.memory_space<hbm>> -> memref<1x1x4096xf32, #tpu.memory_space<hbm>>
      %dma_wait3A_126 = tpu.memref_squeeze %dma_wait3A_125 : memref<1x1x4096xf32, #tpu.memory_space<hbm>> -> memref<4096xf32, #tpu.memory_space<hbm>>
      tpu.wait_dma2 semaphore(%arg15 : memref<!tpu.dma_semaphore, #tpu.memory_space<semaphore_mem>>) src(%arg9 : memref<4096xf32, #tpu.memory_space<vmem>>) dst(%dma_wait3A_126 : memref<4096xf32, #tpu.memory_space<hbm>>)
      %scan3A_127 = arith.constant 0 : i32
      %scan3A_128 = arith.constant 0 : i32
      %scan3A_129 = arith.constant 256 : i32
      %scan3A_130 = arith.addi %scan3A_128, %scan3A_129 : i32
      %scan3A_131 = arith.constant 1 : i32
      scf.for %scan3A_151 = %scan3A_128 to %scan3A_130 step %scan3A_131  : i32 {
        %mul3A_152 = arith.constant 16 : i32
        %mul3A_153 = arith.muli %scan3A_151, %mul3A_152 : i32
        %get3A = arith.index_cast %mul3A_153 : i32 to index
        %get3A_154 = tpu.vector_load %arg7[%get3A] {strides = array<i32>} : memref<4096xi32, #tpu.memory_space<vmem>>, vector<16xi32>,
        %gather3A = tpu.vector_load_idx %arg5[%get3A_154] : memref<100000xf32, #tpu.memory_space<vmem>>[vector<16xi32>], vector<16xf32>,
        %mul3A_155 = arith.constant 16 : i32
        %mul3A_156 = arith.muli %scan3A_151, %mul3A_155 : i32
        %swap3A = arith.index_cast %mul3A_156 : i32 to index
        %swap3A_157 = tpu.vector_load %arg9[%swap3A] {strides = array<i32>} : memref<4096xf32, #tpu.memory_space<vmem>>, vector<16xf32>,
        tpu.vector_store %arg9[%swap3A], %gather3A {strides = array<i32>} : memref<4096xf32, #tpu.memory_space<vmem>>, vector<16xf32>,
      }
      %scan3A_132 = arith.constant 256 : i32
      %dma_start3A_133 = arith.constant 12288 : i32
      %dma_start3A_134 = tpu.memref_slice %arg4[%select_n3A, %select_n3A_30, %dma_start3A_133] : memref<3x8x16384xf32, #tpu.memory_space<hbm>> -> memref<1x1x4096xf32, #tpu.memory_space<hbm>>
      %dma_start3A_135 = tpu.memref_squeeze %dma_start3A_134 : memref<1x1x4096xf32, #tpu.memory_space<hbm>> -> memref<4096xf32, #tpu.memory_space<hbm>>
      %dma_start3A_136 = arith.constant 12288 : i32
      %dma_start3A_137 = tpu.memref_slice %arg4[%select_n3A, %select_n3A_30, %dma_start3A_136] : memref<3x8x16384xf32, #tpu.memory_space<hbm>> -> memref<1x1x4096xf32, #tpu.memory_space<hbm>>
      %dma_start3A_138 = tpu.memref_squeeze %dma_start3A_137 : memref<1x1x4096xf32, #tpu.memory_space<hbm>> -> memref<4096xf32, #tpu.memory_space<hbm>>
      tpu.enqueue_dma source(%arg9 : memref<4096xf32, #tpu.memory_space<vmem>>) target(%dma_start3A_138 : memref<4096xf32, #tpu.memory_space<hbm>>) target_semaphore(%arg15 : memref<!tpu.dma_semaphore, #tpu.memory_space<semaphore_mem>>)
      %dma_wait3A_139 = arith.constant 8192 : i32
      %dma_wait3A_140 = tpu.memref_slice %arg4[%select_n3A, %select_n3A_30, %dma_wait3A_139] : memref<3x8x16384xf32, #tpu.memory_space<hbm>> -> memref<1x1x4096xf32, #tpu.memory_space<hbm>>
      %dma_wait3A_141 = tpu.memref_squeeze %dma_wait3A_140 : memref<1x1x4096xf32, #tpu.memory_space<hbm>> -> memref<4096xf32, #tpu.memory_space<hbm>>
      %dma_wait3A_142 = arith.constant 8192 : i32
      %dma_wait3A_143 = tpu.memref_slice %arg4[%select_n3A, %select_n3A_30, %dma_wait3A_142] : memref<3x8x16384xf32, #tpu.memory_space<hbm>> -> memref<1x1x4096xf32, #tpu.memory_space<hbm>>
      %dma_wait3A_144 = tpu.memref_squeeze %dma_wait3A_143 : memref<1x1x4096xf32, #tpu.memory_space<hbm>> -> memref<4096xf32, #tpu.memory_space<hbm>>
      tpu.wait_dma2 semaphore(%arg14 : memref<!tpu.dma_semaphore, #tpu.memory_space<semaphore_mem>>) src(%arg8 : memref<4096xf32, #tpu.memory_space<vmem>>) dst(%dma_wait3A_144 : memref<4096xf32, #tpu.memory_space<hbm>>)
      %dma_wait3A_145 = arith.constant 12288 : i32
      %dma_wait3A_146 = tpu.memref_slice %arg4[%select_n3A, %select_n3A_30, %dma_wait3A_145] : memref<3x8x16384xf32, #tpu.memory_space<hbm>> -> memref<1x1x4096xf32, #tpu.memory_space<hbm>>
      %dma_wait3A_147 = tpu.memref_squeeze %dma_wait3A_146 : memref<1x1x4096xf32, #tpu.memory_space<hbm>> -> memref<4096xf32, #tpu.memory_space<hbm>>
      %dma_wait3A_148 = arith.constant 12288 : i32
      %dma_wait3A_149 = tpu.memref_slice %arg4[%select_n3A, %select_n3A_30, %dma_wait3A_148] : memref<3x8x16384xf32, #tpu.memory_space<hbm>> -> memref<1x1x4096xf32, #tpu.memory_space<hbm>>
      %dma_wait3A_150 = tpu.memref_squeeze %dma_wait3A_149 : memref<1x1x4096xf32, #tpu.memory_space<hbm>> -> memref<4096xf32, #tpu.memory_space<hbm>>
      tpu.wait_dma2 semaphore(%arg15 : memref<!tpu.dma_semaphore, #tpu.memory_space<semaphore_mem>>) src(%arg9 : memref<4096xf32, #tpu.memory_space<vmem>>) dst(%dma_wait3A_150 : memref<4096xf32, #tpu.memory_space<hbm>>)
    } else {
    }
    return
  }
}

</mosaic_0001>

<sc_bundles>
// kernel: kernel.3.cloned.1.call-start
scs
__scs_entry_jumppad:
0x0: {  	(pc) =	sbr.rel $0x88, $3  }
0x1: {  	(tag) =	ssettag $0x0;
	lr =	simm.s32 $0x1  }
0x2: {  	[smem:$0x3F9F] =	sst lr;
	_ =	strace $0xD0000000  }
0x3: {  	_ = 	snop  }
0x4: {  	_ = 	snop  }
0x5: {  	_ = 	snop  }
0x6: {  	_ = 	snop  }
0x7: {  	_ = 	snop  }
__scs_overlays_trampoline_lowered:
0x8: {  	[smem:$0x3FAE] =	sst s0  }
0x9: {  	[smem:$0x3FAF] =	sst s1  }
0xa: {  	[smem:$0x3FB0] =	sst s2  }
0xb: {  	[smem:$0x3FB1] =	sst s3  }
0xc: {  	[smem:$0x3FB2] =	sst s4  }
0xd: {  	[smem:$0x3FB3] =	sst s5  }
0xe: {  	[smem:$0x3FB4] =	sst s6  }
0xf: {  	[smem:$0x3FB5] =	sst s7  }
0x10: {  	[smem:$0x3FB6] =	sst s8  }
0x11: {  	[smem:$0x3FB7] =	sst s9;
	s0 =	simm.s32 @!p0 $0x0  }
0x12: {  	s1 =	sld [smem:$0x3F9D];
	s0 =	simm.s32 @p0 $0x1  }
0x13: {  	[smem:$0x3FB8] =	sst s0;
	s0 =	simm.s32 @!p1 $0x0  }
0x14: {  	s2 =	sld [smem:$0x3F9C];
	s0 =	simm.s32 @p1 $0x1  }
0x15: {  	[smem:$0x3FB9] =	sst s0;
	s0 =	simm.s32 @!p2 $0x0  }
0x16: {  	s3 =	sld [smem:$0x3FDB];
	s0 =	simm.s32 @p2 $0x1  }
0x17: {  	s4 =	simm.s32 $0x1BF5;
	[smem:$0x3FBB] =	sst s0  }
0x18: {  	s0 =	sld [smem:$0x3F9E];
	_ =	swait.ge [sflag:s4], $0x0  }
0x19: {  	s7 =	sld [smem:$0x3F9F]  }
0x1a: {  	s8 =	sadd.s32 $0xFFFFE003, lr  }
0x1b: {  	s9 =	sadd.s32 $0xFFFFFEF7, lr;
	s5 =	simm.s32 $0xFFFFFFFF;
	p2 =	slt.u32 s8, $0xFFFFF086  }
0x1c: {  	p1 =	slt.u32 s9, $0xF7A;
	s5 =	simm.s32 @!p2 $0x0  }
0x1d: {  	s5 =	simm.s32 @p1 $0x1;
	p0 =	seq.s32 s7, s2  }
0x1e: {  	s7 =	smul.u32 @!p0 $0xF7A, s2;
	p2 =	seq.s32 @!p0 s5, $0x0  }
0x1f: {  	s9 =	smul.u32 $0xF7A, s1;
	s8 =	simm.s32 @!p0 $0x1BF5;
	p2 =	por !p2, p0  }
0x20: {  	[sflag:s8] =	ssyncset.s32 @!p0 $0xFFFFF086;
	s6 =	sadd.s32 @!p0 s3, s7;
	s7 =	simm.s32 @!p0 $0x108  }
0x21: {  	s3 =	sadd.s32 s3, s9;
	s6 =	sadd.s32 @!p0 $0x88, s6;
	s7 =	simm.s32 @p2 $0x1082  }
0x22: {  	[simem:s7], [sflag:s8] =	dma.local @!p0 [hbm:s6], $0xF7A  }
0x23: {  	s9 =	sor.u32 $0xD0000000, s2;
	s6 =	simm.s32 $0x108;
	_ =	swait.ge @!p0 [sflag:s8], $0x0  }
0x24: {  	s3 =	sadd.s32 $0x88, s3;
	s6 =	simm.s32 @!p1 $0x1082;
	[sflag:s4] =	ssyncset.s32 $0xFFFFF086  }
0x25: {  	[simem:s6], [sflag:s4] =	dma.local [hbm:s3], $0xF7A  }
0x26: {  	[smem:$0x3F9F] =	sst s1;
	(tag) =	ssettag s2;
	_ =	strace s9  }
0x27: {  	s1 =	sld [smem:$0x3FAF]  }
0x28: {  	s2 =	sld [smem:$0x3FB0]  }
0x29: {  	s4 =	sld [smem:$0x3FB2]  }
0x2a: {  	p0 =	seq.s32 s5, $0x0;
	s5 =	sld [smem:$0x3FB3]  }
0x2b: {  	s6 =	sld [smem:$0x3FB4]  }
0x2c: {  	s7 =	sld [smem:$0x3FB5]  }
0x2d: {  	s3 =	simm.s32 $0x108;
	s8 =	sld [smem:$0x3FB6]  }
0x2e: {  	s3 =	simm.s32 @!p0 $0x1082;
	s9 =	sld [smem:$0x3FB7]  }
0x2f: {  	lr =	sadd.s32 s0, s3;
	s0 =	sld [smem:$0x3FAE]  }
0x30: {  	s3 =	sld [smem:$0x3FB1]  }
0x31: {  	[smem:$0x3FBA] =	sst s10  }
0x32: {  	s10 =	sld [smem:$0x3FB8];
	_ =	sdelay $0x3  }
0x33: {  	p0 =	seq.s32 s10, $0x1;
	s10 =	sld [smem:$0x3FBA];
	_ =	sdelay $0x3  }
0x34: {  	[smem:$0x3FBA] =	sst s10  }
0x35: {  	s10 =	sld [smem:$0x3FB9];
	_ =	sdelay $0x3  }
0x36: {  	p1 =	seq.s32 s10, $0x1;
	s10 =	sld [smem:$0x3FBA];
	_ =	sdelay $0x3  }
0x37: {  	[smem:$0x3FBA] =	sst s10  }
0x38: {  	s10 =	sld [smem:$0x3FBB]  }
0x39: {  	_ = 	snop;
	(pc) =	sbr.ind lr, $3  }
0x3a: {  	_ = 	snop  }
0x3b: {  	_ = 	snop  }
0x3c: {  	p2 =	seq.s32 s10, $0x1;
	s10 =	sld [smem:$0x3FBA]  }
0x3d: {  	_ =	shalt  }
0x3e: {  	_ =	shalt  }
0x3f: {  	_ =	shalt  }
0x40: {  	_ =	shalt  }
0x41: {  	_ =	shalt  }
0x42: {  	_ =	shalt  }
0x43: {  	_ =	shalt  }
0x44: {  	_ =	shalt  }
0x45: {  	_ =	shalt  }
0x46: {  	_ =	shalt  }
0x47: {  	_ =	shalt  }
0x48: {  	_ =	shalt  }
0x49: {  	_ =	shalt  }
0x4a: {  	_ =	shalt  }
0x4b: {  	_ =	shalt  }
0x4c: {  	_ =	shalt  }
0x4d: {  	_ =	shalt  }
0x4e: {  	_ =	shalt  }
0x4f: {  	_ =	shalt  }
0x50: {  	_ =	shalt  }
0x51: {  	_ =	shalt  }
0x52: {  	_ =	shalt  }
0x53: {  	_ =	shalt  }
0x54: {  	_ =	shalt  }
0x55: {  	_ =	shalt  }
0x56: {  	_ =	shalt  }
0x57: {  	_ =	shalt  }
0x58: {  	_ =	shalt  }
0x59: {  	_ =	shalt  }
0x5a: {  	_ =	shalt  }
0x5b: {  	_ =	shalt  }
0x5c: {  	_ =	shalt  }
0x5d: {  	_ =	shalt  }
0x5e: {  	_ =	shalt  }
0x5f: {  	_ =	shalt  }
0x60: {  	_ =	shalt  }
0x61: {  	_ =	shalt  }
0x62: {  	_ =	shalt  }
0x63: {  	_ =	shalt  }
0x64: {  	_ =	shalt  }
0x65: {  	_ =	shalt  }
0x66: {  	_ =	shalt  }
0x67: {  	_ =	shalt  }
0x68: {  	_ =	shalt  }
0x69: {  	_ =	shalt  }
0x6a: {  	_ =	shalt  }
0x6b: {  	_ =	shalt  }
0x6c: {  	_ =	shalt  }
0x6d: {  	_ =	shalt  }
0x6e: {  	_ =	shalt  }
0x6f: {  	_ =	shalt  }
0x70: {  	_ =	shalt  }
0x71: {  	_ =	shalt  }
0x72: {  	_ =	shalt  }
0x73: {  	_ =	shalt  }
0x74: {  	_ =	shalt  }
0x75: {  	_ =	shalt  }
0x76: {  	_ =	shalt  }
0x77: {  	_ =	shalt  }
0x78: {  	_ =	shalt  }
0x79: {  	_ =	shalt  }
0x7a: {  	_ =	shalt  }
0x7b: {  	_ =	shalt  }
0x7c: {  	_ =	shalt  }
0x7d: {  	_ =	shalt  }
0x7e: {  	_ =	shalt  }
0x7f: {  	_ =	shalt  }
0x80: {  	_ =	shalt  }
0x81: {  	_ =	shalt  }
0x82: {  	_ =	shalt  }
0x83: {  	_ =	shalt  }
0x84: {  	_ =	shalt  }
0x85: {  	_ =	shalt  }
0x86: {  	_ =	shalt  }
0x87: {  	_ =	shalt  }
.Lfunc_end0:
.L_simem_size_0:
called_computation_lowered:
.L_overlay_start_0:
0x88: {  	s2 =	sld [smem:$0x3FD9]  }
0x89: {  	s3 =	sld [smem:$0x3FFE];
	_ =	sdelay $0x1  }
0x8a: {  	s1 =	srdreg.scid  }
0x8b: {  	s0 =	sand.u32 $0x1, s1  }
0x8c: {  	s18 =	sshll.u32 s0, $0xA;
	s2 =	sadd.s32 s3, s2  }
0x8d: {  	s2 =	sadd.s32 s2, s18  }
0x8e: {  	[smem:$0x3FC6] =	sst s2  }
0x8f: {  	_ = 	snop  }
0x90: {  	s2 =	sld [smem:$0x3FC9]  }
0x91: {  	s19 =	sld [smem:$0x3FC8]  }
0x92: {  	s4 =	sld [smem:$0x3FD0];
	(tm) =	ssettm $0x1  }
0x93: {  	s5 =	sld [smem:$0x3FFB];
	_ =	sdelay $0x3  }
0x94: {  	_ =	strace s5  }
0x95: {  	s5 =	sld [smem:$0x3FFC];
	_ =	sdelay $0x3  }
0x96: {  	_ =	strace s5  }
0x97: {  	s5 =	sld [smem:$0x3FFD];
	_ =	sdelay $0x3  }
0x98: {  	_ =	strace s5  }
0x99: {  	_ =	strace $0x8FFFFFFF  }
0x9a: {  	s20 =	sld [smem:$0x3FDB];
	_ =	sdelay $0x1  }
0x9b: {  	s6 =	simm.s32 $_scs_section_size  }
0x9c: {  	s7 =	simm.s32 $_size__tile_overlayer_lowered;
	s8 =	simm.s32 $_tile_overlayer_lowered  }
0x9d: {  	s23 =	simm.s32 $0x1BFF;
	s22 =	sshll.u32 s8, $0x1;
	s5 =	sadd.s32 s6, s20  }
0x9e: {  	s9 =	simm.s32 $0x0;
	s21 =	sshll.u32 s7, $0x1;
	s7 =	sadd.s32 s22, s5  }
0x9f: {  	[timem:s9], [sflag:s23] =	dma.local [hbm:s7], s21  }
0xa0: {  	_ =	swait.ge [sflag:s23], s21  }
0xa1: {  	s6 =	ssub.s32 $0x0, s21;
	[sflag:s23] =	ssyncset.done $0x0  }
0xa2: {  	[sflag:s23] =	ssyncadd.s32 s6;
	_ =	sdelay $0x1  }
0xa3: {  	s24 =	simm.s32 $0x1B8B  }
0xa4: {  	_ =	swait.ge [sflag:s24], $0x1  }
0xa5: {  	[sflag:s24] =	ssyncset.done $0x0  }
0xa6: {  	s25 =	simm.s32 $0x1B8E;
	[sflag:s24] =	ssyncadd.s32 $0xFFFFFFFF  }
0xa7: {  	s26 =	simm.s32 $execute0_lowered;
	[smem:$0x3FD2] =	sst s25  }
0xa8: {  	s6 =	sshll.u32 s26, $0x1;
	_ =	strace $0x80000046;
	[dreg:$0x1] =	wrdreg $0xFFFFFFFF  }
0xa9: {  	s28 =	simm.s32 $_size_execute0_lowered;
	s5 =	sadd.s32 s5, s6;
	[dreg:$0x0] =	wrdreg $0x0  }
0xaa: {  	s6 =	sshll.u32 s28, $0x1;
	[dreg:$0x2] =	wrdreg s5  }
0xab: {  	[dreg:$0x3] =	wrdreg s6  }
0xac: {  	[dreg:$0x4] =	wrdreg $0xC0  }
0xad: {  	_ =	task [dreg:s9], $0x5FFFF  }
0xae: {  	[dreg:$0x1] =	wrdreg $0xFFFFFFFF  }
0xaf: {  	[dreg:$0x0] =	wrdreg $0x60  }
0xb0: {  	[dreg:$0x2] =	wrdreg s2  }
0xb1: {  	[dreg:$0x3] =	wrdreg s19  }
0xb2: {  	[dreg:$0x4] =	wrdreg s4  }
0xb3: {  	[dreg:$0x5] =	wrdreg $0x1C7000  }
0xb4: {  	[dreg:$0x6] =	wrdreg $0x9  }
0xb5: {  	_ =	task.clear_ibuf [dreg:s9], $0x7FFFF;
	_ =	strace $0x90000046  }
0xb6: {  	s29 =	simm.s32 $0x9;
	_ =	strace $0x80000048  }
0xb7: {  	_ =	swait.ge [sflag:s29], $0x1  }
0xb8: {  	[sflag:s29] =	ssyncadd.s32 $0xFFFFFFFF  }
0xb9: {  	_ =	strace $0x90000048  }
0xba: {  	_ =	sfence  }
0xbb: {  	s30 =	sld [smem:$0x0];
	_ =	sdelay $0x2  }
0xbc: {  	s31 =	sshll.u32 s1, $0xD;
	s1 =	sshrl.u32 s1, $0x2  }
0xbd: {  	s3 =	sand.u32 $0x4000, s31;
	s1 =	sadd.s32 s1, s30  }
0xbe: {  	s0 =	sor.u32 s3, s0;
	s1 =	sshll.u32 s1, $0x11  }
0xbf: {  	s0 =	sor.u32 s1, s0  }
0xc0: {  	s0 =	sadd.s32 $0x8F2B, s0  }
0xc1: {  	[sflag:s0] =	ssyncadd.remote.s32 $0x1  }
0xc2: {  	_ =	sfence.sel $0xFFFF  }
0xc3: {  	[dreg:$0x0] =	wrdreg $0xFFFFFFFF;
	(pc) =	sbr.abs _section_cstart, $3  }
0xc4: {  	[dreg:$0x1] =	wrdreg $0xFFFFFFFF  }
0xc5: {  	_ =	task.clear_ibuf [dreg:s9], $0x2FFFF;
	_ =	strace $0x9FFFFFFF  }
0xc6: {  	(tm) =	ssettm $0x7FFFFFFF  }
0xc7: {  	_ =	shalt  }
tec
execute0_lowered:
.L_overlay_start_1:
0x0: {  	(tag) =	ssettag $0x1  }
0x1: {  	s1 =	rddreg [dreg:$0x0]  }
0x2: {  	s4 =	rddreg [dreg:$0x1]  }
0x3: {  	s6 =	rddreg [dreg:$0x2]  }
0x4: {  	s2 =	rddreg [dreg:$0x3]  }
0x5: {  	s0 =	rddreg [dreg:$0x4]  }
0x6: {  	s3 =	simm.s32 $0x0;
	s13 =	stileid.u32;
	s5 =	srdreg.scid  }
0x7: {  	s14 =	simm.s32 $0x400;
	s16 =	simm.s32 $0x18700;
	s17 =	simm.s32 $0x19700  }
0x8: {  	s18 =	simm.s32 $0x1;
	s19 =	simm.s32 $0x2;
	s20 =	simm.s32 $0x1A700  }
0x9: {  	s21 =	simm.s32 $0x3;
	s22 =	simm.s32 $0x1B700;
	s23 =	simm.s32 $0x4  }
0xa: {  	s24 =	simm.s32 $0x5;
	s25 =	simm.s32 $0x0;
	[smem:$0x7FF] =	sst s3  }
0xb: {  	s7 =	sshll.u32 s13, $0x1;
	s5 =	sand.u32 $0x1, s5;
	s8 =	sshrl.u32 s13, $0x2  }
0xc: {  	p1 =	sgt.u32 s13, $0xB;
	p0 =	sne.s32 s13, $0x0;
	s13 =	simm.s32 $0x80  }
0xd: {  	s7 =	sand.u32 $0x6, s7;
	s9 =	ssub.s32 $0x2, s5;
	s31 =	smul.u32 $0xC3800, s8  }
0xe: {  	_ =	strace $0x80000047;
	s8 =	sshll.u32 s8, $0xE;
	s5 =	sor.u32 s5, s7  }
0xf: {  	s15 =	sshrl.u32 @!p0 s2, $0x3;
	s10 =	sshrl.u32 s9, $0x1;
	s11 =	sshll.u32 s5, $0x7  }
.Ltmp0:
0x10: {  	s5 =	sshll.u32 s5, $0x4;
	s12 =	ssub.s32 s9, s10;
	(pc) =	sbr.rel .LBB2_1-.Ltmp0, $4  }
0x11: {  	s9 =	sadd.s32 $0x3000, s2;
	s7 =	sor.u32 s31, s11;
	s8 =	sor.u32 s8, s5  }
0x12: {  	s5 =	sadd.s32 $0x1000, s2;
	s12 =	smax.u32 s12, $0x1;
	s7 =	sshrl.u32 s7, $0x3  }
0x13: {  	s6 =	sadd.s32 s6, s8;
	s4 =	sadd.s32 s4, s7;
	s7 =	sadd.s32 $0x2000, s2  }
0x14: {  	s8 =	sadd.s32 $0x1000, s6;
	s10 =	sadd.s32 $0x2000, s6;
	s11 =	sadd.s32 $0x3000, s6  }
.LBB2_13:
0x15: {  	[bflag:$0x0] =	sbarrier.arrive $0xFFFF  }
.LBB2_11:
0x16: {  	s25 =	sadd.s32 $0x1, s25  }
0x17: {  	p2 =	sne.s32 s25, s12  }
.Ltmp1:
0x18: {  	_ = 	snop;
	(pc) =	sbr.rel @!p2 .LBB2_12-.Ltmp1, $1  }
0x19: {  	_ =	sdelay $0x3  }
.LBB2_1:
.Ltmp2:
0x1a: {  	(pc) =	sbr.rel @p1 .LBB2_13-.Ltmp2, $1  }
0x1b: {  	_ =	sdelay $0x3  }
0x1c: {  	[tilespmem:s3], [sflag:$0x1] =	stream.strided.gather [hbm4b:s4+s13], $0x18700, s14, s13, $0x38;
	[tilespmem:$0x1CB00] =	vst v63  }
0x1d: {  	s26 =	simm.s32 @!p0 $0x1C06  }
0x1e: {  	[spmem:s15], [sflag:s26] =	dma.local @!p0 [hbm:s1], $0x800  }
0x1f: {  	s26 =	simm.s32 @!p0 $0x6  }
0x20: {  	_ =	swait.ge @!p0 [sflag:s26], $0x800  }
0x21: {  	[sflag:s26] =	ssyncset.done @!p0 $0x0  }
0x22: {  	[sflag:s26] =	ssyncadd.s32 @!p0 $0xFFFFF800  }
0x23: {  	[bflag:$0x0] =	sbarrier.arrive $0xFFFF  }
0x24: {  	[tilespmem:s16], [sflag:$0x2] =	stream.linear.gather [spmem:s2], $0x1000, $0x38;
	[tilespmem:$0x1CB00] =	vst v63  }
0x25: {  	_ = 	snop  }
0x26: {  	[tilespmem:s17], [sflag:$0x3] =	stream.linear.gather [spmem:s5], $0x1000, $0x38;
	[tilespmem:$0x1CB00] =	vst v63  }
0x27: {  	_ =	swait.ge [sflag:s18], $0x18700  }
0x28: {  	[sflag:s18] =	ssyncset.done $0x0  }
0x29: {  	[sflag:s18] =	ssyncadd.s32 $0xFFFE7900  }
0x2a: {  	_ =	swait.ge [sflag:s19], $0x1000  }
0x2b: {  	[sflag:s19] =	ssyncset.done $0x0  }
0x2c: {  	s26 =	simm.s32 $0x0;
	[sflag:s19] =	ssyncadd.s32 $0xFFFFF000  }
0x2d: {  	v0 =	vld [tilespmem:s26+$0x18700];
	_ =	sdelay $0x7  }
0x2e: {  	s28 =	simm.s32 $0x10;
	s29 =	simm.s32 $0x80;
	v0 =	vld.idx.msk [tilespmem:v0+s3+$0x0], $0xffff  }
.LBB2_3:
0x2f: {  	p2 =	sne.s32 s29, $0x3FC0;
	v1 =	vld [tilespmem:s28+$0x18700];
	_ =	sdelay $0x3  }
.Ltmp3:
0x30: {  	(pc) =	sbr.rel @p2 .LBB2_3-.Ltmp3, $2  }
0x31: {  	[tilespmem:s26+$0x1A700] =	vst v0;
	s26 =	smov.u32 s28;
	_ =	sdelay $0x2  }
0x32: {  	s28 =	sshra.s32 s29, $0x2;
	s29 =	sadd.s32 $0x40, s29;
	v0 =	vld.idx.msk [tilespmem:v1+s3+$0x0], $0xffff  }
0x33: {  	v1 =	vld [tilespmem:s28+$0x18700];
	_ =	sdelay $0x6  }
0x34: {  	[tilespmem:s26+$0x1A700] =	vst v0  }
0x35: {  	v0 =	vld.idx.msk [tilespmem:v1+s3+$0x0], $0xffff;
	_ =	sdelay $0x4  }
0x36: {  	[tilespmem:s28+$0x1A700] =	vst v0  }
0x37: {  	[hbm4b:s6+s13] =	stream.strided.scatter [tilespmem:s20], [sflag:$0x4], $0x1000, s14, s13, $0x38;
	[tilespmem:$0x1CB00] =	vst v63  }
0x38: {  	_ = 	snop  }
0x39: {  	[tilespmem:s16], [sflag:$0x2] =	stream.linear.gather [spmem:s7], $0x1000, $0x38;
	[tilespmem:$0x1CB00] =	vst v63  }
0x3a: {  	_ =	swait.ge [sflag:s21], $0x1000  }
0x3b: {  	[sflag:s21] =	ssyncset.done $0x0  }
0x3c: {  	s26 =	simm.s32 $0x0;
	[sflag:s21] =	ssyncadd.s32 $0xFFFFF000  }
0x3d: {  	v0 =	vld [tilespmem:s26+$0x19700];
	_ =	sdelay $0x7  }
0x3e: {  	s29 =	simm.s32 $0x80;
	s28 =	simm.s32 $0x10;
	v0 =	vld.idx.msk [tilespmem:v0+s3+$0x0], $0xffff  }
.LBB2_5:
0x3f: {  	p2 =	sne.s32 s29, $0x3FC0;
	v1 =	vld [tilespmem:s28+$0x19700];
	_ =	sdelay $0x3  }
.Ltmp4:
0x40: {  	(pc) =	sbr.rel @p2 .LBB2_5-.Ltmp4, $2  }
0x41: {  	[tilespmem:s26+$0x1B700] =	vst v0;
	s26 =	smov.u32 s28;
	_ =	sdelay $0x2  }
0x42: {  	s28 =	sshra.s32 s29, $0x2;
	s29 =	sadd.s32 $0x40, s29;
	v0 =	vld.idx.msk [tilespmem:v1+s3+$0x0], $0xffff  }
0x43: {  	v1 =	vld [tilespmem:s28+$0x19700];
	_ =	sdelay $0x6  }
0x44: {  	[tilespmem:s26+$0x1B700] =	vst v0  }
0x45: {  	v0 =	vld.idx.msk [tilespmem:v1+s3+$0x0], $0xffff;
	_ =	sdelay $0x4  }
0x46: {  	[tilespmem:s28+$0x1B700] =	vst v0  }
0x47: {  	[hbm4b:s8+s13] =	stream.strided.scatter [tilespmem:s22], [sflag:$0x5], $0x1000, s14, s13, $0x38;
	[tilespmem:$0x1CB00] =	vst v63  }
0x48: {  	_ = 	snop  }
0x49: {  	[tilespmem:s17], [sflag:$0x3] =	stream.linear.gather [spmem:s9], $0x1000, $0x38;
	[tilespmem:$0x1CB00] =	vst v63  }
0x4a: {  	_ =	swait.ge [sflag:s19], $0x1000  }
0x4b: {  	[sflag:s19] =	ssyncset.done $0x0  }
0x4c: {  	[sflag:s19] =	ssyncadd.s32 $0xFFFFF000  }
0x4d: {  	_ =	swait.ge [sflag:s23], $0x1000  }
0x4e: {  	[sflag:s23] =	ssyncset.done $0x0  }
0x4f: {  	s26 =	simm.s32 $0x0;
	[sflag:s23] =	ssyncadd.s32 $0xFFFFF000  }
0x50: {  	v0 =	vld [tilespmem:s26+$0x18700];
	_ =	sdelay $0x7  }
0x51: {  	s29 =	simm.s32 $0x80;
	s28 =	simm.s32 $0x10;
	v0 =	vld.idx.msk [tilespmem:v0+s3+$0x0], $0xffff  }
.LBB2_7:
0x52: {  	p2 =	sne.s32 s29, $0x3FC0;
	v1 =	vld [tilespmem:s28+$0x18700];
	_ =	sdelay $0x3  }
.Ltmp5:
0x53: {  	(pc) =	sbr.rel @p2 .LBB2_7-.Ltmp5, $2  }
0x54: {  	[tilespmem:s26+$0x1A700] =	vst v0;
	s26 =	smov.u32 s28;
	_ =	sdelay $0x2  }
0x55: {  	s28 =	sshra.s32 s29, $0x2;
	s29 =	sadd.s32 $0x40, s29;
	v0 =	vld.idx.msk [tilespmem:v1+s3+$0x0], $0xffff  }
0x56: {  	v1 =	vld [tilespmem:s28+$0x18700];
	_ =	sdelay $0x6  }
0x57: {  	[tilespmem:s26+$0x1A700] =	vst v0  }
0x58: {  	v0 =	vld.idx.msk [tilespmem:v1+s3+$0x0], $0xffff;
	_ =	sdelay $0x4  }
0x59: {  	[tilespmem:s28+$0x1A700] =	vst v0  }
0x5a: {  	[hbm4b:s10+s13] =	stream.strided.scatter [tilespmem:s20], [sflag:$0x4], $0x1000, s14, s13, $0x38;
	[tilespmem:$0x1CB00] =	vst v63  }
0x5b: {  	_ =	swait.ge [sflag:s21], $0x1000  }
0x5c: {  	[sflag:s21] =	ssyncset.done $0x0  }
0x5d: {  	[sflag:s21] =	ssyncadd.s32 $0xFFFFF000  }
0x5e: {  	_ =	swait.ge [sflag:s24], $0x1000  }
0x5f: {  	[sflag:s24] =	ssyncset.done $0x0  }
0x60: {  	s26 =	simm.s32 $0x0;
	[sflag:s24] =	ssyncadd.s32 $0xFFFFF000  }
0x61: {  	v0 =	vld [tilespmem:s26+$0x19700];
	_ =	sdelay $0x7  }
0x62: {  	s29 =	simm.s32 $0x80;
	s28 =	simm.s32 $0x10;
	v0 =	vld.idx.msk [tilespmem:v0+s3+$0x0], $0xffff  }
.LBB2_9:
0x63: {  	p2 =	sne.s32 s29, $0x3FC0;
	v1 =	vld [tilespmem:s28+$0x19700];
	_ =	sdelay $0x3  }
.Ltmp6:
0x64: {  	(pc) =	sbr.rel @p2 .LBB2_9-.Ltmp6, $2  }
0x65: {  	[tilespmem:s26+$0x1B700] =	vst v0;
	s26 =	smov.u32 s28;
	_ =	sdelay $0x2  }
0x66: {  	s28 =	sshra.s32 s29, $0x2;
	s29 =	sadd.s32 $0x40, s29;
	v0 =	vld.idx.msk [tilespmem:v1+s3+$0x0], $0xffff  }
0x67: {  	v1 =	vld [tilespmem:s28+$0x19700];
	_ =	sdelay $0x6  }
0x68: {  	[tilespmem:s26+$0x1B700] =	vst v0  }
0x69: {  	v0 =	vld.idx.msk [tilespmem:v1+s3+$0x0], $0xffff;
	_ =	sdelay $0x4  }
0x6a: {  	[tilespmem:s28+$0x1B700] =	vst v0  }
0x6b: {  	[hbm4b:s11+s13] =	stream.strided.scatter [tilespmem:s22], [sflag:$0x5], $0x1000, s14, s13, $0x38;
	[tilespmem:$0x1CB00] =	vst v63  }
0x6c: {  	_ =	swait.ge [sflag:s23], $0x1000  }
.Ltmp7:
0x6d: {  	[sflag:s23] =	ssyncset.done $0x0;
	(pc) =	sbr.rel .LBB2_11-.Ltmp7, $4  }
0x6e: {  	[sflag:s23] =	ssyncadd.s32 $0xFFFFF000  }
0x6f: {  	_ =	swait.ge [sflag:s24], $0x1000  }
0x70: {  	[sflag:s24] =	ssyncset.done $0x0  }
0x71: {  	[sflag:s24] =	ssyncadd.s32 $0xFFFFF000  }
.LBB2_12:
0x72: {  	_ =	sfence.sel $0x180000  }
0x73: {  	[bflag:$0x0] =	sbarrier.arrive $0xFFFF  }
0x74: {  	_ =	strace $0x90000047  }
0x75: {  	s0 =	sadd.s32 @!p0 $0x100000, s0;
	[bflag:$0x2] =	sbarrier.arrive $0xFFFF  }
0x76: {  	[sflag:s0] =	ssyncadd.tile.s32 @!p0 $0x1;
	_ =	shalt  }
.Lfunc_end2:
_tile_overlayer_lowered:
.L_overlay_start_2:
0x77: {  	(tag) =	ssettag $0x2  }
0x78: {  	s0 =	rddreg [dreg:$0x0];
	s2 =	stileid.u32  }
0x79: {  	s1 =	rddreg [dreg:$0x1];
	p0 =	sne.s32 s2, $0x0  }
0x7a: {  	s3 =	rddreg [dreg:$0x2];
	[bflag:$0x3] =	sbarrier.arrive $0xFFFF;
	s2 =	simm.s32 @!p0 $0x1C06  }
0x7b: {  	[timem:s3], [sflag:s2] =	dma.local @!p0 [hbm:s0], s1  }
0x7c: {  	s0 =	simm.s32 @!p0 $0x6  }
0x7d: {  	_ =	swait.ge @!p0 [sflag:s0], s1  }
0x7e: {  	s1 =	ssub.s32 @!p0 $0x0, s1;
	[sflag:s0] =	ssyncset.done @!p0 $0x0  }
0x7f: {  	[sflag:s0] =	ssyncadd.s32 @!p0 s1  }
0x80: {  	[bflag:$0x3] =	sbarrier.arrive $0xFFFF  }
0x81: {  	_ =	shalt  }

</sc_bundles>
